<compile_context>
chip_gen: v7x
topology: tpu7x:2x2x1
jax: 0.10.2.dev20260603
libtpu: 0.0.44.dev20260713+nightly
codegen_flags: <defaults>
</compile_context>

<pallas_src>
import functools

import jax
import jax.numpy as jnp
from jax import lax
from jax.experimental import pallas as pl
from jax.experimental.pallas import tpu as pltpu
from jax.experimental.pallas import tpu_sc as plsc

_NUM_INTERVENTIONS = 128
_BATCH = 16384
_DIM = 512
_NC = 2
_NS = 16
_NW = _NC * _NS
_ROWS_PER_W = _BATCH // _NW
_CHUNK = 64
_NCHUNK = _ROWS_PER_W // _CHUNK

_mesh = plsc.VectorSubcoreMesh(core_axis_name="c", subcore_axis_name="s")


@functools.partial(
    pl.kernel,
    mesh=_mesh,
    out_type=jax.ShapeDtypeStruct((_BATCH * _DIM,), jnp.float32),
    compiler_params=pltpu.CompilerParams(needs_layout_passes=False),
    scratch_types=[
        pltpu.VMEM((_NUM_INTERVENTIONS,), jnp.int32),
        pltpu.VMEM((_CHUNK * _DIM,), jnp.float32),
        pltpu.VMEM((_CHUNK * _DIM,), jnp.float32),
    ],
)
def _sc_fix_columns(x_hbm, c_hbm, idx_hbm, out_hbm, idx_v, x_v, c_v):
    wid = lax.axis_index("s") * _NC + lax.axis_index("c")
    base = wid * _ROWS_PER_W * _DIM
    pltpu.sync_copy(idx_hbm, idx_v)

    def chunk_body(k, carry):
        e0 = base + k * (_CHUNK * _DIM)
        pltpu.sync_copy(x_hbm.at[pl.ds(e0, _CHUNK * _DIM)], x_v)
        pltpu.sync_copy(c_hbm.at[pl.ds(e0, _CHUNK * _DIM)], c_v)

        def row_body(r, c2):
            rbase = jnp.full((16,), r * _DIM, jnp.int32)
            for j in range(_NUM_INTERVENTIONS // 16):
                fidx = rbase + idx_v[pl.ds(j * 16, 16)]
                vals = plsc.load_gather(c_v, [fidx])
                plsc.store_scatter(x_v, [fidx], 1.0 - vals)
            return c2

        lax.fori_loop(0, _CHUNK, row_body, 0)
        pltpu.sync_copy(x_v, out_hbm.at[pl.ds(e0, _CHUNK * _DIM)])
        return carry

    lax.fori_loop(0, _NCHUNK, chunk_body, 0)


def kernel(x, concepts):
    batch, dim = x.shape
    idx = jax.random.permutation(jax.random.key(42), dim)[:_NUM_INTERVENTIONS]
    out = _sc_fix_columns(
        x.reshape(-1), concepts.reshape(-1), idx.astype(jnp.int32)
    )
    return out.reshape(batch, dim)

# --- scband reference (transcript-rebuilt; emitter-appended) ---
"""Pipeline reference for scband-negative-intervention-75222057222216 (READ-ONLY COPY).

The authoritative reference and input builder live on the scoring server;
editing this copy changes nothing except your own understanding.
"""

import jax, jax.numpy as jnp
import numpy as np

NUM_INTERVENTIONS = 128
BATCH = 16384
CONCEPT_DIM = 512


def setup_inputs(seed: int = 0) -> dict:
    key = jax.random.key(seed)
    k1, k2 = jax.random.split(key)
    x = jax.random.normal(k1, (BATCH, CONCEPT_DIM), dtype=jnp.float32)
    concepts = jax.random.uniform(k2, (BATCH, CONCEPT_DIM), dtype=jnp.float32)
    return {"x": x, "concepts": concepts}


def reference(x, concepts):
    # model_type is not ConceptWhiteningModel -> incorrect = 1 - concepts
    incorrect_concepts = 1.0 - concepts
    concept_dim = concepts.shape[-1]
    # torch.randperm(concept_dim)[:num_interventions] -> fixed-key permutation for determinism
    intervention_idx = jax.random.permutation(jax.random.key(42), concept_dim)[:NUM_INTERVENTIONS]
    # x[:, idx] = incorrect_concepts[:, idx]  (scatter-overwrite along columns)
    out = x.at[:, intervention_idx].set(incorrect_concepts[:, intervention_idx])
    return out

if __name__ == "__main__":
    import jax
    _d = setup_inputs()
    print(jax.jit(kernel)(*tuple(_d.values())))

</pallas_src>

<mosaic_0001>
#map = affine_map<(d0, d1) -> (0)>
module attributes {stable_mosaic.version = 14 : i64} {
  func.func @_sc_fix_columns(%arg0: i32, %arg1: i32, %arg2: memref<8388608xf32, #tpu.memory_space<hbm>>, %arg3: memref<8388608xf32, #tpu.memory_space<hbm>>, %arg4: memref<128xi32, #tpu.memory_space<hbm>>, %arg5: memref<8388608xf32, #tpu.memory_space<hbm>>, %arg6: memref<128xi32, #tpu.memory_space<vmem>>, %arg7: memref<32768xf32, #tpu.memory_space<vmem>>, %arg8: memref<32768xf32, #tpu.memory_space<vmem>>) attributes {dimension_semantics = [#tpu.dimension_semantics<core_parallel>, #tpu.dimension_semantics<subcore_parallel>], iteration_bounds = array<i64: 2, 16>, scalar_prefetch = 0 : i64, scratch_operands = 3 : i64, tpu.core_type = #tpu.core_type<sc_vector_subcore>, window_params = [{transform_indices = #map}, {transform_indices = #map}, {transform_indices = #map}, {transform_indices = #map}]} {
    %mul3A = arith.constant 2 : i32
    %mul3A_0 = arith.muli %arg1, %mul3A : i32
    %add3A = arith.addi %mul3A_0, %arg0 : i32
    %mul3A_1 = arith.constant 512 : i32
    %mul3A_2 = arith.muli %add3A, %mul3A_1 : i32
    %mul3A_3 = arith.constant 512 : i32
    %mul3A_4 = arith.muli %mul3A_2, %mul3A_3 : i32
    "tpu.region"() ({
      %run_scoped3A = tpu.sem_alloc : memref<!tpu.dma_semaphore, #tpu.memory_space<semaphore_mem>>
      tpu.enqueue_dma source(%arg4 : memref<128xi32, #tpu.memory_space<hbm>>) target(%arg6 : memref<128xi32, #tpu.memory_space<vmem>>) target_semaphore(%run_scoped3A : memref<!tpu.dma_semaphore, #tpu.memory_space<semaphore_mem>>)
      tpu.wait_dma2 semaphore(%run_scoped3A : memref<!tpu.dma_semaphore, #tpu.memory_space<semaphore_mem>>) src(%arg4 : memref<128xi32, #tpu.memory_space<hbm>>) dst(%arg6 : memref<128xi32, #tpu.memory_space<vmem>>)
      tpu.yield
    }) : () -> ()
    %scan3A = arith.constant 0 : i32
    %scan3A_5 = arith.constant 0 : i32
    %scan3A_6 = arith.constant 8 : i32
    %scan3A_7 = arith.addi %scan3A_5, %scan3A_6 : i32
    %scan3A_8 = arith.constant 1 : i32
    scf.for %scan3A_10 = %scan3A_5 to %scan3A_7 step %scan3A_8  : i32 {
      %mul3A_11 = arith.constant 32768 : i32
      %mul3A_12 = arith.muli %scan3A_10, %mul3A_11 : i32
      %add3A_13 = arith.addi %mul3A_4, %mul3A_12 : i32
      "tpu.region"() ({
        %run_scoped3A = tpu.sem_alloc : memref<!tpu.dma_semaphore, #tpu.memory_space<semaphore_mem>>
        %dma_start3A = tpu.memref_slice %arg2[%add3A_13] : memref<8388608xf32, #tpu.memory_space<hbm>> -> memref<32768xf32, #tpu.memory_space<hbm>>
        %dma_start3A_20 = tpu.memref_slice %arg2[%add3A_13] : memref<8388608xf32, #tpu.memory_space<hbm>> -> memref<32768xf32, #tpu.memory_space<hbm>>
        tpu.enqueue_dma source(%dma_start3A_20 : memref<32768xf32, #tpu.memory_space<hbm>>) target(%arg7 : memref<32768xf32, #tpu.memory_space<vmem>>) target_semaphore(%run_scoped3A : memref<!tpu.dma_semaphore, #tpu.memory_space<semaphore_mem>>)
        %dma_wait3A = tpu.memref_slice %arg2[%add3A_13] : memref<8388608xf32, #tpu.memory_space<hbm>> -> memref<32768xf32, #tpu.memory_space<hbm>>
        %dma_wait3A_21 = tpu.memref_slice %arg2[%add3A_13] : memref<8388608xf32, #tpu.memory_space<hbm>> -> memref<32768xf32, #tpu.memory_space<hbm>>
        tpu.wait_dma2 semaphore(%run_scoped3A : memref<!tpu.dma_semaphore, #tpu.memory_space<semaphore_mem>>) src(%dma_wait3A_21 : memref<32768xf32, #tpu.memory_space<hbm>>) dst(%arg7 : memref<32768xf32, #tpu.memory_space<vmem>>)
        tpu.yield
      }) : () -> ()
      "tpu.region"() ({
        %run_scoped3A = tpu.sem_alloc : memref<!tpu.dma_semaphore, #tpu.memory_space<semaphore_mem>>
        %dma_start3A = tpu.memref_slice %arg3[%add3A_13] : memref<8388608xf32, #tpu.memory_space<hbm>> -> memref<32768xf32, #tpu.memory_space<hbm>>
        %dma_start3A_20 = tpu.memref_slice %arg3[%add3A_13] : memref<8388608xf32, #tpu.memory_space<hbm>> -> memref<32768xf32, #tpu.memory_space<hbm>>
        tpu.enqueue_dma source(%dma_start3A_20 : memref<32768xf32, #tpu.memory_space<hbm>>) target(%arg8 : memref<32768xf32, #tpu.memory_space<vmem>>) target_semaphore(%run_scoped3A : memref<!tpu.dma_semaphore, #tpu.memory_space<semaphore_mem>>)
        %dma_wait3A = tpu.memref_slice %arg3[%add3A_13] : memref<8388608xf32, #tpu.memory_space<hbm>> -> memref<32768xf32, #tpu.memory_space<hbm>>
        %dma_wait3A_21 = tpu.memref_slice %arg3[%add3A_13] : memref<8388608xf32, #tpu.memory_space<hbm>> -> memref<32768xf32, #tpu.memory_space<hbm>>
        tpu.wait_dma2 semaphore(%run_scoped3A : memref<!tpu.dma_semaphore, #tpu.memory_space<semaphore_mem>>) src(%dma_wait3A_21 : memref<32768xf32, #tpu.memory_space<hbm>>) dst(%arg8 : memref<32768xf32, #tpu.memory_space<vmem>>)
        tpu.yield
      }) : () -> ()
      %scan3A_14 = arith.constant 0 : i32
      %scan3A_15 = arith.constant 0 : i32
      %scan3A_16 = arith.constant 64 : i32
      %scan3A_17 = arith.addi %scan3A_15, %scan3A_16 : i32
      %scan3A_18 = arith.constant 1 : i32
      scf.for %scan3A_20 = %scan3A_15 to %scan3A_17 step %scan3A_18  : i32 {
        %mul3A_21 = arith.constant 512 : i32
        %mul3A_22 = arith.muli %scan3A_20, %mul3A_21 : i32
        %broadcast_in_dim3A = vector.broadcast %mul3A_22 : i32 to vector<16xi32>
        %get3A = arith.constant 0 : index
        %get3A_23 = tpu.vector_load %arg6[%get3A] {strides = array<i32>} : memref<128xi32, #tpu.memory_space<vmem>>, vector<16xi32>,
        %add3A_24 = arith.addi %broadcast_in_dim3A, %get3A_23 : vector<16xi32>
        %gather3A = tpu.vector_load_idx %arg8[%add3A_24] : memref<32768xf32, #tpu.memory_space<vmem>>[vector<16xi32>], vector<16xf32>,
        %sub3A = arith.constant 1.000000e+00 : f32
        %sub3A_25 = vector.broadcast %sub3A : f32 to vector<16xf32>
        %sub3A_26 = arith.subf %sub3A_25, %gather3A : vector<16xf32>
        tpu.vector_store_idx %arg7[%add3A_24], %sub3A_26 : memref<32768xf32, #tpu.memory_space<vmem>>[vector<16xi32>], vector<16xf32>,
        %get3A_27 = arith.constant 16 : index
        %get3A_28 = tpu.vector_load %arg6[%get3A_27] {strides = array<i32>} : memref<128xi32, #tpu.memory_space<vmem>>, vector<16xi32>,
        %add3A_29 = arith.addi %broadcast_in_dim3A, %get3A_28 : vector<16xi32>
        %gather3A_30 = tpu.vector_load_idx %arg8[%add3A_29] : memref<32768xf32, #tpu.memory_space<vmem>>[vector<16xi32>], vector<16xf32>,
        %sub3A_31 = arith.constant 1.000000e+00 : f32
        %sub3A_32 = vector.broadcast %sub3A_31 : f32 to vector<16xf32>
        %sub3A_33 = arith.subf %sub3A_32, %gather3A_30 : vector<16xf32>
        tpu.vector_store_idx %arg7[%add3A_29], %sub3A_33 : memref<32768xf32, #tpu.memory_space<vmem>>[vector<16xi32>], vector<16xf32>,
        %get3A_34 = arith.constant 32 : index
        %get3A_35 = tpu.vector_load %arg6[%get3A_34] {strides = array<i32>} : memref<128xi32, #tpu.memory_space<vmem>>, vector<16xi32>,
        %add3A_36 = arith.addi %broadcast_in_dim3A, %get3A_35 : vector<16xi32>
        %gather3A_37 = tpu.vector_load_idx %arg8[%add3A_36] : memref<32768xf32, #tpu.memory_space<vmem>>[vector<16xi32>], vector<16xf32>,
        %sub3A_38 = arith.constant 1.000000e+00 : f32
        %sub3A_39 = vector.broadcast %sub3A_38 : f32 to vector<16xf32>
        %sub3A_40 = arith.subf %sub3A_39, %gather3A_37 : vector<16xf32>
        tpu.vector_store_idx %arg7[%add3A_36], %sub3A_40 : memref<32768xf32, #tpu.memory_space<vmem>>[vector<16xi32>], vector<16xf32>,
        %get3A_41 = arith.constant 48 : index
        %get3A_42 = tpu.vector_load %arg6[%get3A_41] {strides = array<i32>} : memref<128xi32, #tpu.memory_space<vmem>>, vector<16xi32>,
        %add3A_43 = arith.addi %broadcast_in_dim3A, %get3A_42 : vector<16xi32>
        %gather3A_44 = tpu.vector_load_idx %arg8[%add3A_43] : memref<32768xf32, #tpu.memory_space<vmem>>[vector<16xi32>], vector<16xf32>,
        %sub3A_45 = arith.constant 1.000000e+00 : f32
        %sub3A_46 = vector.broadcast %sub3A_45 : f32 to vector<16xf32>
        %sub3A_47 = arith.subf %sub3A_46, %gather3A_44 : vector<16xf32>
        tpu.vector_store_idx %arg7[%add3A_43], %sub3A_47 : memref<32768xf32, #tpu.memory_space<vmem>>[vector<16xi32>], vector<16xf32>,
        %get3A_48 = arith.constant 64 : index
        %get3A_49 = tpu.vector_load %arg6[%get3A_48] {strides = array<i32>} : memref<128xi32, #tpu.memory_space<vmem>>, vector<16xi32>,
        %add3A_50 = arith.addi %broadcast_in_dim3A, %get3A_49 : vector<16xi32>
        %gather3A_51 = tpu.vector_load_idx %arg8[%add3A_50] : memref<32768xf32, #tpu.memory_space<vmem>>[vector<16xi32>], vector<16xf32>,
        %sub3A_52 = arith.constant 1.000000e+00 : f32
        %sub3A_53 = vector.broadcast %sub3A_52 : f32 to vector<16xf32>
        %sub3A_54 = arith.subf %sub3A_53, %gather3A_51 : vector<16xf32>
        tpu.vector_store_idx %arg7[%add3A_50], %sub3A_54 : memref<32768xf32, #tpu.memory_space<vmem>>[vector<16xi32>], vector<16xf32>,
        %get3A_55 = arith.constant 80 : index
        %get3A_56 = tpu.vector_load %arg6[%get3A_55] {strides = array<i32>} : memref<128xi32, #tpu.memory_space<vmem>>, vector<16xi32>,
        %add3A_57 = arith.addi %broadcast_in_dim3A, %get3A_56 : vector<16xi32>
        %gather3A_58 = tpu.vector_load_idx %arg8[%add3A_57] : memref<32768xf32, #tpu.memory_space<vmem>>[vector<16xi32>], vector<16xf32>,
        %sub3A_59 = arith.constant 1.000000e+00 : f32
        %sub3A_60 = vector.broadcast %sub3A_59 : f32 to vector<16xf32>
        %sub3A_61 = arith.subf %sub3A_60, %gather3A_58 : vector<16xf32>
        tpu.vector_store_idx %arg7[%add3A_57], %sub3A_61 : memref<32768xf32, #tpu.memory_space<vmem>>[vector<16xi32>], vector<16xf32>,
        %get3A_62 = arith.constant 96 : index
        %get3A_63 = tpu.vector_load %arg6[%get3A_62] {strides = array<i32>} : memref<128xi32, #tpu.memory_space<vmem>>, vector<16xi32>,
        %add3A_64 = arith.addi %broadcast_in_dim3A, %get3A_63 : vector<16xi32>
        %gather3A_65 = tpu.vector_load_idx %arg8[%add3A_64] : memref<32768xf32, #tpu.memory_space<vmem>>[vector<16xi32>], vector<16xf32>,
        %sub3A_66 = arith.constant 1.000000e+00 : f32
        %sub3A_67 = vector.broadcast %sub3A_66 : f32 to vector<16xf32>
        %sub3A_68 = arith.subf %sub3A_67, %gather3A_65 : vector<16xf32>
        tpu.vector_store_idx %arg7[%add3A_64], %sub3A_68 : memref<32768xf32, #tpu.memory_space<vmem>>[vector<16xi32>], vector<16xf32>,
        %get3A_69 = arith.constant 112 : index
        %get3A_70 = tpu.vector_load %arg6[%get3A_69] {strides = array<i32>} : memref<128xi32, #tpu.memory_space<vmem>>, vector<16xi32>,
        %add3A_71 = arith.addi %broadcast_in_dim3A, %get3A_70 : vector<16xi32>
        %gather3A_72 = tpu.vector_load_idx %arg8[%add3A_71] : memref<32768xf32, #tpu.memory_space<vmem>>[vector<16xi32>], vector<16xf32>,
        %sub3A_73 = arith.constant 1.000000e+00 : f32
        %sub3A_74 = vector.broadcast %sub3A_73 : f32 to vector<16xf32>
        %sub3A_75 = arith.subf %sub3A_74, %gather3A_72 : vector<16xf32>
        tpu.vector_store_idx %arg7[%add3A_71], %sub3A_75 : memref<32768xf32, #tpu.memory_space<vmem>>[vector<16xi32>], vector<16xf32>,
      }
      %scan3A_19 = arith.constant 64 : i32
      "tpu.region"() ({
        %run_scoped3A = tpu.sem_alloc : memref<!tpu.dma_semaphore, #tpu.memory_space<semaphore_mem>>
        %dma_start3A = tpu.memref_slice %arg5[%add3A_13] : memref<8388608xf32, #tpu.memory_space<hbm>> -> memref<32768xf32, #tpu.memory_space<hbm>>
        %dma_start3A_20 = tpu.memref_slice %arg5[%add3A_13] : memref<8388608xf32, #tpu.memory_space<hbm>> -> memref<32768xf32, #tpu.memory_space<hbm>>
        tpu.enqueue_dma source(%arg7 : memref<32768xf32, #tpu.memory_space<vmem>>) target(%dma_start3A_20 : memref<32768xf32, #tpu.memory_space<hbm>>) target_semaphore(%run_scoped3A : memref<!tpu.dma_semaphore, #tpu.memory_space<semaphore_mem>>)
        %dma_wait3A = tpu.memref_slice %arg5[%add3A_13] : memref<8388608xf32, #tpu.memory_space<hbm>> -> memref<32768xf32, #tpu.memory_space<hbm>>
        %dma_wait3A_21 = tpu.memref_slice %arg5[%add3A_13] : memref<8388608xf32, #tpu.memory_space<hbm>> -> memref<32768xf32, #tpu.memory_space<hbm>>
        tpu.wait_dma2 semaphore(%run_scoped3A : memref<!tpu.dma_semaphore, #tpu.memory_space<semaphore_mem>>) src(%arg7 : memref<32768xf32, #tpu.memory_space<vmem>>) dst(%dma_wait3A_21 : memref<32768xf32, #tpu.memory_space<hbm>>)
        tpu.yield
      }) : () -> ()
    }
    %scan3A_9 = arith.constant 8 : i32
    return
  }
}

</mosaic_0001>

<sc_bundles>
// kernel: kernel.3.cloned.1.call-start
scs
__scs_entry_jumppad:
0x0: {  	(pc) =	sbr.rel $0x88, $3  }
0x1: {  	(tag) =	ssettag $0x0;
	lr =	simm.s32 $0x1  }
0x2: {  	[smem:$0x3F9F] =	sst lr;
	_ =	strace $0xD0000000  }
0x3: {  	_ = 	snop  }
0x4: {  	_ = 	snop  }
0x5: {  	_ = 	snop  }
0x6: {  	_ = 	snop  }
0x7: {  	_ = 	snop  }
__scs_overlays_trampoline_lowered:
0x8: {  	[smem:$0x3FAE] =	sst s0  }
0x9: {  	[smem:$0x3FAF] =	sst s1  }
0xa: {  	[smem:$0x3FB0] =	sst s2  }
0xb: {  	[smem:$0x3FB1] =	sst s3  }
0xc: {  	[smem:$0x3FB2] =	sst s4  }
0xd: {  	[smem:$0x3FB3] =	sst s5  }
0xe: {  	[smem:$0x3FB4] =	sst s6  }
0xf: {  	[smem:$0x3FB5] =	sst s7  }
0x10: {  	[smem:$0x3FB6] =	sst s8  }
0x11: {  	[smem:$0x3FB7] =	sst s9;
	s0 =	simm.s32 @!p0 $0x0  }
0x12: {  	s1 =	sld [smem:$0x3F9D];
	s0 =	simm.s32 @p0 $0x1  }
0x13: {  	[smem:$0x3FB8] =	sst s0;
	s0 =	simm.s32 @!p1 $0x0  }
0x14: {  	s2 =	sld [smem:$0x3F9C];
	s0 =	simm.s32 @p1 $0x1  }
0x15: {  	[smem:$0x3FB9] =	sst s0;
	s0 =	simm.s32 @!p2 $0x0  }
0x16: {  	s3 =	sld [smem:$0x3FDB];
	s0 =	simm.s32 @p2 $0x1  }
0x17: {  	s4 =	simm.s32 $0x1BF5;
	[smem:$0x3FBB] =	sst s0  }
0x18: {  	s0 =	sld [smem:$0x3F9E];
	_ =	swait.ge [sflag:s4], $0x0  }
0x19: {  	s7 =	sld [smem:$0x3F9F]  }
0x1a: {  	s8 =	sadd.s32 $0xFFFFE003, lr  }
0x1b: {  	s9 =	sadd.s32 $0xFFFFFEF7, lr;
	s5 =	simm.s32 $0xFFFFFFFF;
	p2 =	slt.u32 s8, $0xFFFFF086  }
0x1c: {  	p1 =	slt.u32 s9, $0xF7A;
	s5 =	simm.s32 @!p2 $0x0  }
0x1d: {  	s5 =	simm.s32 @p1 $0x1;
	p0 =	seq.s32 s7, s2  }
0x1e: {  	s7 =	smul.u32 @!p0 $0xF7A, s2;
	p2 =	seq.s32 @!p0 s5, $0x0  }
0x1f: {  	s9 =	smul.u32 $0xF7A, s1;
	s8 =	simm.s32 @!p0 $0x1BF5;
	p2 =	por !p2, p0  }
0x20: {  	[sflag:s8] =	ssyncset.s32 @!p0 $0xFFFFF086;
	s6 =	sadd.s32 @!p0 s3, s7;
	s7 =	simm.s32 @!p0 $0x108  }
0x21: {  	s3 =	sadd.s32 s3, s9;
	s6 =	sadd.s32 @!p0 $0x88, s6;
	s7 =	simm.s32 @p2 $0x1082  }
0x22: {  	[simem:s7], [sflag:s8] =	dma.local @!p0 [hbm:s6], $0xF7A  }
0x23: {  	s9 =	sor.u32 $0xD0000000, s2;
	s6 =	simm.s32 $0x108;
	_ =	swait.ge @!p0 [sflag:s8], $0x0  }
0x24: {  	s3 =	sadd.s32 $0x88, s3;
	s6 =	simm.s32 @!p1 $0x1082;
	[sflag:s4] =	ssyncset.s32 $0xFFFFF086  }
0x25: {  	[simem:s6], [sflag:s4] =	dma.local [hbm:s3], $0xF7A  }
0x26: {  	[smem:$0x3F9F] =	sst s1;
	(tag) =	ssettag s2;
	_ =	strace s9  }
0x27: {  	s1 =	sld [smem:$0x3FAF]  }
0x28: {  	s2 =	sld [smem:$0x3FB0]  }
0x29: {  	s4 =	sld [smem:$0x3FB2]  }
0x2a: {  	p0 =	seq.s32 s5, $0x0;
	s5 =	sld [smem:$0x3FB3]  }
0x2b: {  	s6 =	sld [smem:$0x3FB4]  }
0x2c: {  	s7 =	sld [smem:$0x3FB5]  }
0x2d: {  	s3 =	simm.s32 $0x108;
	s8 =	sld [smem:$0x3FB6]  }
0x2e: {  	s3 =	simm.s32 @!p0 $0x1082;
	s9 =	sld [smem:$0x3FB7]  }
0x2f: {  	lr =	sadd.s32 s0, s3;
	s0 =	sld [smem:$0x3FAE]  }
0x30: {  	s3 =	sld [smem:$0x3FB1]  }
0x31: {  	[smem:$0x3FBA] =	sst s10  }
0x32: {  	s10 =	sld [smem:$0x3FB8];
	_ =	sdelay $0x3  }
0x33: {  	p0 =	seq.s32 s10, $0x1;
	s10 =	sld [smem:$0x3FBA];
	_ =	sdelay $0x3  }
0x34: {  	[smem:$0x3FBA] =	sst s10  }
0x35: {  	s10 =	sld [smem:$0x3FB9];
	_ =	sdelay $0x3  }
0x36: {  	p1 =	seq.s32 s10, $0x1;
	s10 =	sld [smem:$0x3FBA];
	_ =	sdelay $0x3  }
0x37: {  	[smem:$0x3FBA] =	sst s10  }
0x38: {  	s10 =	sld [smem:$0x3FBB]  }
0x39: {  	_ = 	snop;
	(pc) =	sbr.ind lr, $3  }
0x3a: {  	_ = 	snop  }
0x3b: {  	_ = 	snop  }
0x3c: {  	p2 =	seq.s32 s10, $0x1;
	s10 =	sld [smem:$0x3FBA]  }
0x3d: {  	_ =	shalt  }
0x3e: {  	_ =	shalt  }
0x3f: {  	_ =	shalt  }
0x40: {  	_ =	shalt  }
0x41: {  	_ =	shalt  }
0x42: {  	_ =	shalt  }
0x43: {  	_ =	shalt  }
0x44: {  	_ =	shalt  }
0x45: {  	_ =	shalt  }
0x46: {  	_ =	shalt  }
0x47: {  	_ =	shalt  }
0x48: {  	_ =	shalt  }
0x49: {  	_ =	shalt  }
0x4a: {  	_ =	shalt  }
0x4b: {  	_ =	shalt  }
0x4c: {  	_ =	shalt  }
0x4d: {  	_ =	shalt  }
0x4e: {  	_ =	shalt  }
0x4f: {  	_ =	shalt  }
0x50: {  	_ =	shalt  }
0x51: {  	_ =	shalt  }
0x52: {  	_ =	shalt  }
0x53: {  	_ =	shalt  }
0x54: {  	_ =	shalt  }
0x55: {  	_ =	shalt  }
0x56: {  	_ =	shalt  }
0x57: {  	_ =	shalt  }
0x58: {  	_ =	shalt  }
0x59: {  	_ =	shalt  }
0x5a: {  	_ =	shalt  }
0x5b: {  	_ =	shalt  }
0x5c: {  	_ =	shalt  }
0x5d: {  	_ =	shalt  }
0x5e: {  	_ =	shalt  }
0x5f: {  	_ =	shalt  }
0x60: {  	_ =	shalt  }
0x61: {  	_ =	shalt  }
0x62: {  	_ =	shalt  }
0x63: {  	_ =	shalt  }
0x64: {  	_ =	shalt  }
0x65: {  	_ =	shalt  }
0x66: {  	_ =	shalt  }
0x67: {  	_ =	shalt  }
0x68: {  	_ =	shalt  }
0x69: {  	_ =	shalt  }
0x6a: {  	_ =	shalt  }
0x6b: {  	_ =	shalt  }
0x6c: {  	_ =	shalt  }
0x6d: {  	_ =	shalt  }
0x6e: {  	_ =	shalt  }
0x6f: {  	_ =	shalt  }
0x70: {  	_ =	shalt  }
0x71: {  	_ =	shalt  }
0x72: {  	_ =	shalt  }
0x73: {  	_ =	shalt  }
0x74: {  	_ =	shalt  }
0x75: {  	_ =	shalt  }
0x76: {  	_ =	shalt  }
0x77: {  	_ =	shalt  }
0x78: {  	_ =	shalt  }
0x79: {  	_ =	shalt  }
0x7a: {  	_ =	shalt  }
0x7b: {  	_ =	shalt  }
0x7c: {  	_ =	shalt  }
0x7d: {  	_ =	shalt  }
0x7e: {  	_ =	shalt  }
0x7f: {  	_ =	shalt  }
0x80: {  	_ =	shalt  }
0x81: {  	_ =	shalt  }
0x82: {  	_ =	shalt  }
0x83: {  	_ =	shalt  }
0x84: {  	_ =	shalt  }
0x85: {  	_ =	shalt  }
0x86: {  	_ =	shalt  }
0x87: {  	_ =	shalt  }
.Lfunc_end0:
.L_simem_size_0:
called_computation.2_lowered:
.L_overlay_start_0:
0x88: {  	s2 =	sld [smem:$0x3FD9]  }
0x89: {  	s3 =	sld [smem:$0x3FFE];
	_ =	sdelay $0x1  }
0x8a: {  	s1 =	srdreg.scid  }
0x8b: {  	s0 =	sand.u32 $0x1, s1  }
0x8c: {  	s17 =	sshll.u32 s0, $0xA;
	s2 =	sadd.s32 s3, s2  }
0x8d: {  	s2 =	sadd.s32 s2, s17  }
0x8e: {  	[smem:$0x3FC6] =	sst s2  }
0x8f: {  	_ = 	snop  }
0x90: {  	s2 =	sld [smem:$0x3FD0];
	(tm) =	ssettm $0x1  }
0x91: {  	s18 =	sld [smem:$0x3FFB];
	_ =	sdelay $0x3  }
0x92: {  	_ =	strace s18  }
0x93: {  	s3 =	sld [smem:$0x3FFC];
	_ =	sdelay $0x3  }
0x94: {  	_ =	strace s3  }
0x95: {  	s3 =	sld [smem:$0x3FFD];
	_ =	sdelay $0x3  }
0x96: {  	_ =	strace s3  }
0x97: {  	_ =	strace $0x8FFFFFFF  }
0x98: {  	s19 =	sld [smem:$0x3FDB];
	_ =	sdelay $0x1  }
0x99: {  	s4 =	simm.s32 $_scs_section_size  }
0x9a: {  	s5 =	simm.s32 $_size__tile_overlayer_lowered;
	s6 =	simm.s32 $_tile_overlayer_lowered  }
0x9b: {  	s22 =	simm.s32 $0x1BFF;
	s21 =	sshll.u32 s6, $0x1;
	s3 =	sadd.s32 s4, s19  }
0x9c: {  	s7 =	simm.s32 $0x0;
	s20 =	sshll.u32 s5, $0x1;
	s5 =	sadd.s32 s21, s3  }
0x9d: {  	[timem:s7], [sflag:s22] =	dma.local [hbm:s5], s20  }
0x9e: {  	_ =	swait.ge [sflag:s22], s20  }
0x9f: {  	s4 =	ssub.s32 $0x0, s20;
	[sflag:s22] =	ssyncset.done $0x0  }
0xa0: {  	[sflag:s22] =	ssyncadd.s32 s4;
	_ =	sdelay $0x1  }
0xa1: {  	s23 =	simm.s32 $0x1B8B  }
0xa2: {  	_ =	swait.ge [sflag:s23], $0x1  }
0xa3: {  	[sflag:s23] =	ssyncset.done $0x0  }
0xa4: {  	s25 =	simm.s32 $0x1B8E;
	s24 =	sld [smem:$0x3FFE];
	[sflag:s23] =	ssyncadd.s32 $0xFFFFFFFF  }
0xa5: {  	s26 =	simm.s32 $execute0_lowered;
	[smem:$0x3FD2] =	sst s25  }
0xa6: {  	s5 =	sshll.u32 s26, $0x1;
	_ =	strace $0x8000004C;
	[dreg:$0x1] =	wrdreg $0xFFFFFFFF  }
0xa7: {  	s28 =	simm.s32 $_size_execute0_lowered;
	s3 =	sadd.s32 s3, s5;
	[dreg:$0x0] =	wrdreg $0x0  }
0xa8: {  	s5 =	sshll.u32 s28, $0x1;
	[dreg:$0x2] =	wrdreg s3  }
0xa9: {  	[dreg:$0x3] =	wrdreg s5  }
0xaa: {  	[dreg:$0x4] =	wrdreg $0xC0  }
0xab: {  	_ =	task [dreg:s7], $0x5FFFF  }
0xac: {  	[dreg:$0x1] =	wrdreg $0xFFFFFFFF  }
0xad: {  	[dreg:$0x0] =	wrdreg $0x60  }
0xae: {  	[dreg:$0x2] =	wrdreg s24  }
0xaf: {  	[dreg:$0x3] =	wrdreg s2  }
0xb0: {  	[dreg:$0x4] =	wrdreg $0x9  }
0xb1: {  	_ =	task.clear_ibuf [dreg:s7], $0x5FFFF;
	_ =	strace $0x9000004C  }
0xb2: {  	s29 =	simm.s32 $0x9;
	_ =	strace $0x8000004E  }
0xb3: {  	_ =	swait.ge [sflag:s29], $0x1  }
0xb4: {  	[sflag:s29] =	ssyncadd.s32 $0xFFFFFFFF  }
0xb5: {  	_ =	strace $0x9000004E  }
0xb6: {  	_ =	sfence  }
0xb7: {  	s30 =	sld [smem:$0x0];
	_ =	sdelay $0x2  }
0xb8: {  	s31 =	sshll.u32 s1, $0xD;
	s1 =	sshrl.u32 s1, $0x2  }
0xb9: {  	s3 =	sand.u32 $0x4000, s31;
	s1 =	sadd.s32 s1, s30  }
0xba: {  	s0 =	sor.u32 s3, s0;
	s1 =	sshll.u32 s1, $0x11  }
0xbb: {  	s0 =	sor.u32 s1, s0  }
0xbc: {  	s0 =	sadd.s32 $0x8F2B, s0  }
0xbd: {  	[sflag:s0] =	ssyncadd.remote.s32 $0x1  }
0xbe: {  	_ =	sfence.sel $0xFFFF  }
0xbf: {  	[dreg:$0x0] =	wrdreg $0xFFFFFFFF;
	(pc) =	sbr.abs _section_cstart, $3  }
0xc0: {  	[dreg:$0x1] =	wrdreg $0xFFFFFFFF  }
0xc1: {  	_ =	task.clear_ibuf [dreg:s7], $0x2FFFF;
	_ =	strace $0x9FFFFFFF  }
0xc2: {  	(tm) =	ssettm $0x7FFFFFFF  }
0xc3: {  	_ =	shalt  }
tec
execute0_lowered:
.L_overlay_start_1:
0x0: {  	(tag) =	ssettag $0x1  }
0x1: {  	s1 =	rddreg [dreg:$0x0]  }
0x2: {  	s2 =	rddreg [dreg:$0x1]  }
0x3: {  	s0 =	rddreg [dreg:$0x2];
	s3 =	simm.s32 $0x0  }
0x4: {  	s4 =	srdreg.scid;
	s10 =	simm.s32 $0x80;
	s11 =	simm.s32 $0x8080  }
0x5: {  	s12 =	simm.s32 $0x0;
	[smem:$0x7FF] =	sst s3;
	s7 =	sand.u32 $0x1, s4  }
0x6: {  	s5 =	sadd.s32 $0x100000, s1;
	s6 =	sadd.s32 $0x100200, s1;
	s8 =	ssub.s32 $0x2, s7  }
0x7: {  	s4 =	stileid.u32;
	_ =	strace $0x8000004D;
	s9 =	sshrl.u32 s8, $0x1  }
0x8: {  	s31 =	sshll.u32 s4, $0x10;
	s7 =	sshll.u32 s7, $0xF;
	s8 =	ssub.s32 s8, s9  }
0x9: {  	s7 =	sor.u32 s7, s31;
	s9 =	simm.s32 $0x1;
	s8 =	smax.u32 s8, $0x1  }
.LBB2_1:
0xa: {  	[tilespmem:s3], [sflag:$0x1] =	stream.linear.gather [hbm4b:s5+s3], $0x80, $0x38;
	[tilespmem:$0x10080] =	vst v63  }
0xb: {  	_ =	swait.ge [sflag:s9], $0x80  }
0xc: {  	[sflag:s9] =	ssyncset.done $0x0  }
0xd: {  	s13 =	simm.s32 $0x0;
	[sflag:s9] =	ssyncadd.s32 $0xFFFFFF80  }
.LBB2_2:
0xe: {  	s14 =	sshll.u32 s13, $0xC  }
0xf: {  	s14 =	sadd.s32 s7, s14  }
0x10: {  	s15 =	simm.s32 $0x0;
	s16 =	sadd.s32 s1, s14  }
0x11: {  	[tilespmem:s10], [sflag:$0x1] =	stream.linear.gather [hbm4b:s16+s15], $0x8000, $0x38;
	[tilespmem:$0x10080] =	vst v63  }
0x12: {  	_ =	swait.ge [sflag:s9], $0x8000  }
0x13: {  	[sflag:s9] =	ssyncset.done $0x0  }
0x14: {  	s31 =	sadd.s32 s2, s14;
	[sflag:s9] =	ssyncadd.s32 $0xFFFF8000  }
0x15: {  	[tilespmem:s11], [sflag:$0x1] =	stream.linear.gather [hbm4b:s31+s15], $0x8000, $0x38;
	[tilespmem:$0x10080] =	vst v63  }
0x16: {  	_ =	swait.ge [sflag:s9], $0x8000  }
0x17: {  	[sflag:s9] =	ssyncset.done $0x0  }
0x18: {  	[sflag:s9] =	ssyncadd.s32 $0xFFFF8000  }
.LBB2_3:
0x19: {  	v0 =	vld [tilespmem:$0x0];
	_ =	sdelay $0x4  }
0x1a: {  	v0 =	vadd.s32 s15, v0;
	_ =	sdelay $0x4  }
0x1b: {  	v1 =	vld.idx.msk [tilespmem:v0+s11+$0x0], $0xffff;
	_ =	sdelay $0x4  }
0x1c: {  	v1 =	vsub.f32 $1.000000000e+00, v1;
	_ =	sdelay $0x1  }
0x1d: {  	[tilespmem:v0+s10+$0x0] =	vst.idx.msk $0xffff, v1  }
0x1e: {  	v0 =	vld [tilespmem:$0x10];
	_ =	sdelay $0x4  }
0x1f: {  	v0 =	vadd.s32 s15, v0;
	_ =	sdelay $0x4  }
0x20: {  	v1 =	vld.idx.msk [tilespmem:v0+s11+$0x0], $0xffff;
	_ =	sdelay $0x4  }
0x21: {  	v1 =	vsub.f32 $1.000000000e+00, v1;
	_ =	sdelay $0x1  }
0x22: {  	[tilespmem:v0+s10+$0x0] =	vst.idx.msk $0xffff, v1  }
0x23: {  	v0 =	vld [tilespmem:$0x20];
	_ =	sdelay $0x4  }
0x24: {  	v0 =	vadd.s32 s15, v0;
	_ =	sdelay $0x4  }
0x25: {  	v1 =	vld.idx.msk [tilespmem:v0+s11+$0x0], $0xffff;
	_ =	sdelay $0x4  }
0x26: {  	v1 =	vsub.f32 $1.000000000e+00, v1;
	_ =	sdelay $0x1  }
0x27: {  	[tilespmem:v0+s10+$0x0] =	vst.idx.msk $0xffff, v1  }
0x28: {  	v0 =	vld [tilespmem:$0x30];
	_ =	sdelay $0x4  }
0x29: {  	v0 =	vadd.s32 s15, v0;
	_ =	sdelay $0x4  }
0x2a: {  	v1 =	vld.idx.msk [tilespmem:v0+s11+$0x0], $0xffff;
	_ =	sdelay $0x4  }
0x2b: {  	v1 =	vsub.f32 $1.000000000e+00, v1;
	_ =	sdelay $0x1  }
0x2c: {  	[tilespmem:v0+s10+$0x0] =	vst.idx.msk $0xffff, v1  }
0x2d: {  	v0 =	vld [tilespmem:$0x40];
	_ =	sdelay $0x4  }
0x2e: {  	v0 =	vadd.s32 s15, v0;
	_ =	sdelay $0x4  }
0x2f: {  	v1 =	vld.idx.msk [tilespmem:v0+s11+$0x0], $0xffff;
	_ =	sdelay $0x4  }
0x30: {  	v1 =	vsub.f32 $1.000000000e+00, v1;
	_ =	sdelay $0x1  }
0x31: {  	[tilespmem:v0+s10+$0x0] =	vst.idx.msk $0xffff, v1  }
0x32: {  	v0 =	vld [tilespmem:$0x50];
	_ =	sdelay $0x4  }
0x33: {  	v0 =	vadd.s32 s15, v0;
	_ =	sdelay $0x4  }
0x34: {  	v1 =	vld.idx.msk [tilespmem:v0+s11+$0x0], $0xffff;
	_ =	sdelay $0x4  }
0x35: {  	v1 =	vsub.f32 $1.000000000e+00, v1;
	_ =	sdelay $0x1  }
0x36: {  	[tilespmem:v0+s10+$0x0] =	vst.idx.msk $0xffff, v1  }
0x37: {  	v0 =	vld [tilespmem:$0x60];
	_ =	sdelay $0x4  }
0x38: {  	v0 =	vadd.s32 s15, v0;
	_ =	sdelay $0x4  }
0x39: {  	v1 =	vld.idx.msk [tilespmem:v0+s11+$0x0], $0xffff;
	_ =	sdelay $0x4  }
0x3a: {  	v1 =	vsub.f32 $1.000000000e+00, v1;
	_ =	sdelay $0x1  }
0x3b: {  	[tilespmem:v0+s10+$0x0] =	vst.idx.msk $0xffff, v1  }
0x3c: {  	v0 =	vld [tilespmem:$0x70];
	_ =	sdelay $0x4  }
0x3d: {  	v0 =	vadd.s32 s15, v0;
	_ =	sdelay $0x4  }
0x3e: {  	v1 =	vld.idx.msk [tilespmem:v0+s11+$0x0], $0xffff;
	_ =	sdelay $0x1  }
0x3f: {  	p0 =	sne.s32 s15, $0x7E00  }
.Ltmp0:
0x40: {  	_ = 	snop;
	(pc) =	sbr.rel @p0 .LBB2_3-.Ltmp0, $3  }
0x41: {  	_ = 	snop  }
0x42: {  	v1 =	vsub.f32 $1.000000000e+00, v1;
	_ =	sdelay $0x1  }
0x43: {  	s15 =	sadd.s32 $0x200, s15;
	[tilespmem:v0+s10+$0x0] =	vst.idx.msk $0xffff, v1  }
0x44: {  	s13 =	sadd.s32 $0x1, s13  }
0x45: {  	p0 =	sne.s32 s13, $0x8  }
.Ltmp1:
0x46: {  	s14 =	sadd.s32 s6, s14;
	(pc) =	sbr.rel @p0 .LBB2_2-.Ltmp1, $4  }
0x47: {  	[hbm4b:s14+s3] =	stream.linear.scatter [tilespmem:s10], [sflag:$0x1], $0x8000, $0x38;
	[tilespmem:$0x10080] =	vst v63  }
0x48: {  	_ =	swait.ge [sflag:s9], $0x8000  }
0x49: {  	[sflag:s9] =	ssyncset.done $0x0  }
0x4a: {  	[sflag:s9] =	ssyncadd.s32 $0xFFFF8000  }
0x4b: {  	s12 =	sadd.s32 $0x1, s12  }
0x4c: {  	p0 =	sne.s32 s12, s8  }
.Ltmp2:
0x4d: {  	_ = 	snop;
	(pc) =	sbr.rel @p0 .LBB2_1-.Ltmp2, $1  }
0x4e: {  	_ =	sdelay $0x3  }
0x4f: {  	_ =	sfence.sel $0x180000  }
0x50: {  	[bflag:$0x0] =	sbarrier.arrive $0xFFFF  }
0x51: {  	p0 =	sne.s32 s4, $0x0;
	_ =	strace $0x9000004D  }
0x52: {  	s0 =	sadd.s32 @!p0 $0x100000, s0;
	[bflag:$0x2] =	sbarrier.arrive $0xFFFF  }
0x53: {  	[sflag:s0] =	ssyncadd.tile.s32 @!p0 $0x1;
	_ =	shalt  }
.Lfunc_end2:
_tile_overlayer_lowered:
.L_overlay_start_2:
0x54: {  	(tag) =	ssettag $0x2  }
0x55: {  	s0 =	rddreg [dreg:$0x0];
	s2 =	stileid.u32  }
0x56: {  	s1 =	rddreg [dreg:$0x1];
	p0 =	sne.s32 s2, $0x0  }
0x57: {  	s3 =	rddreg [dreg:$0x2];
	[bflag:$0x3] =	sbarrier.arrive $0xFFFF;
	s2 =	simm.s32 @!p0 $0x1C01  }
0x58: {  	[timem:s3], [sflag:s2] =	dma.local @!p0 [hbm:s0], s1  }
0x59: {  	s0 =	simm.s32 @!p0 $0x1  }
0x5a: {  	_ =	swait.ge @!p0 [sflag:s0], s1  }
0x5b: {  	s1 =	ssub.s32 @!p0 $0x0, s1;
	[sflag:s0] =	ssyncset.done @!p0 $0x0  }
0x5c: {  	[sflag:s0] =	ssyncadd.s32 @!p0 s1  }
0x5d: {  	[bflag:$0x3] =	sbarrier.arrive $0xFFFF  }
0x5e: {  	_ =	shalt  }

// kernel: sparse-core-data-format-call.1.cloned.1.call-start
scs
called_computation.1_lowered:
.L_overlay_start_0:
0x0: {  	s2 =	sld [smem:$0x3FD9]  }
0x1: {  	s3 =	sld [smem:$0x3FFE];
	_ =	sdelay $0x1  }
0x2: {  	s1 =	srdreg.scid  }
0x3: {  	s0 =	sand.u32 $0x1, s1  }
0x4: {  	s18 =	sshll.u32 s0, $0xA;
	s2 =	sadd.s32 s3, s2  }
0x5: {  	s2 =	sadd.s32 s2, s18  }
0x6: {  	[smem:$0x3FC6] =	sst s2  }
0x7: {  	_ = 	snop  }
0x8: {  	s2 =	sld [smem:$0x3FC9];
	(tm) =	ssettm $0x1  }
0x9: {  	s19 =	sld [smem:$0x3FFB];
	_ =	sdelay $0x3  }
0xa: {  	_ =	strace s19  }
0xb: {  	s3 =	sld [smem:$0x3FFC];
	_ =	sdelay $0x3  }
0xc: {  	_ =	strace s3  }
0xd: {  	s3 =	sld [smem:$0x3FFD];
	_ =	sdelay $0x3  }
0xe: {  	_ =	strace s3  }
0xf: {  	_ =	strace $0x8FFFFFFF  }
0x10: {  	s20 =	sld [smem:$0x3FDB];
	_ =	sdelay $0x1  }
0x11: {  	s4 =	simm.s32 $_scs_section_size  }
0x12: {  	s5 =	simm.s32 $_size__tile_overlayer_lowered;
	s6 =	simm.s32 $_tile_overlayer_lowered  }
0x13: {  	s23 =	simm.s32 $0x1BFF;
	s22 =	sshll.u32 s6, $0x1;
	s3 =	sadd.s32 s4, s20  }
0x14: {  	s7 =	simm.s32 $0x0;
	s21 =	sshll.u32 s5, $0x1;
	s5 =	sadd.s32 s22, s3  }
0x15: {  	[timem:s7], [sflag:s23] =	dma.local [hbm:s5], s21  }
0x16: {  	_ =	swait.ge [sflag:s23], s21  }
0x17: {  	s4 =	ssub.s32 $0x0, s21;
	[sflag:s23] =	ssyncset.done $0x0  }
0x18: {  	[sflag:s23] =	ssyncadd.s32 s4;
	_ =	sdelay $0x1  }
0x19: {  	s24 =	simm.s32 $0x1B8B  }
0x1a: {  	_ =	swait.ge [sflag:s24], $0x1  }
0x1b: {  	[sflag:s24] =	ssyncset.done $0x0  }
0x1c: {  	s26 =	simm.s32 $0x1B8E;
	s25 =	sld [smem:$0x3FFE];
	[sflag:s24] =	ssyncadd.s32 $0xFFFFFFFF  }
0x1d: {  	s27 =	simm.s32 $execute0_lowered;
	[smem:$0x3FD2] =	sst s26  }
0x1e: {  	s5 =	sshll.u32 s27, $0x1;
	_ =	strace $0x80000046;
	[dreg:$0x1] =	wrdreg $0xFFFFFFFF  }
0x1f: {  	s28 =	simm.s32 $_size_execute0_lowered;
	s3 =	sadd.s32 s3, s5;
	[dreg:$0x0] =	wrdreg $0x0  }
0x20: {  	s5 =	sshll.u32 s28, $0x1;
	[dreg:$0x2] =	wrdreg s3  }
0x21: {  	[dreg:$0x3] =	wrdreg s5  }
0x22: {  	[dreg:$0x4] =	wrdreg $0xC0  }
0x23: {  	_ =	task [dreg:s7], $0x5FFFF  }
0x24: {  	[dreg:$0x1] =	wrdreg $0xFFFFFFFF  }
0x25: {  	[dreg:$0x0] =	wrdreg $0x60  }
0x26: {  	[dreg:$0x2] =	wrdreg s2  }
0x27: {  	[dreg:$0x3] =	wrdreg s25  }
0x28: {  	[dreg:$0x4] =	wrdreg $0xA  }
0x29: {  	_ =	task.clear_ibuf [dreg:s7], $0x5FFFF;
	_ =	strace $0x90000046  }
0x2a: {  	s29 =	simm.s32 $0xA;
	_ =	strace $0x80000048  }
0x2b: {  	_ =	swait.ge [sflag:s29], $0x1  }
0x2c: {  	[sflag:s29] =	ssyncadd.s32 $0xFFFFFFFF  }
0x2d: {  	_ =	strace $0x90000048  }
0x2e: {  	_ =	sfence  }
0x2f: {  	s30 =	sld [smem:$0x0];
	_ =	sdelay $0x2  }
0x30: {  	s31 =	sshll.u32 s1, $0xD;
	s1 =	sshrl.u32 s1, $0x2  }
0x31: {  	s3 =	sand.u32 $0x4000, s31;
	s1 =	sadd.s32 s1, s30  }
0x32: {  	s0 =	sor.u32 s3, s0;
	s1 =	sshll.u32 s1, $0x11  }
0x33: {  	s0 =	sor.u32 s1, s0  }
0x34: {  	s0 =	sadd.s32 $0x8F2B, s0  }
0x35: {  	[sflag:s0] =	ssyncadd.remote.s32 $0x1  }
0x36: {  	_ =	sfence.sel $0xFFFF  }
0x37: {  	[dreg:$0x0] =	wrdreg $0xFFFFFFFF;
	(pc) =	sbr.abs _section_cstart, $3  }
0x38: {  	[dreg:$0x1] =	wrdreg $0xFFFFFFFF  }
0x39: {  	_ =	task.clear_ibuf [dreg:s7], $0x2FFFF;
	_ =	strace $0x9FFFFFFF  }
0x3a: {  	(tm) =	ssettm $0x7FFFFFFF  }
0x3b: {  	_ =	shalt  }
tec
execute0_lowered:
.L_overlay_start_1:
0x0: {  	(tag) =	ssettag $0x1  }
0x1: {  	s0 =	srdreg.scid  }
0x2: {  	s1 =	sshll.u32 s0, $0x4  }
0x3: {  	s2 =	rddreg [dreg:$0x0];
	s0 =	stileid.u32;
	s1 =	sand.u32 $0x10, s1  }
0x4: {  	s4 =	rddreg [dreg:$0x1];
	s1 =	sor.u32 s0, s1  }
0x5: {  	s7 =	simm.s32 $0x1;
	s8 =	simm.s32 $0x2;
	s3 =	sshll.u32 s1, $0x2  }
0x6: {  	s9 =	simm.s32 $0x0;
	s12 =	simm.s32 $0x0;
	s6 =	ssub.s32 $0x800, s3  }
.Ltmp0:
0x7: {  	s11 =	simm.s32 $0x0;
	s5 =	sand.u32 $0x7C, s6;
	(pc) =	sbr.rel .LBB1_1-.Ltmp0, $4  }
0x8: {  	s1 =	rddreg [dreg:$0x2];
	_ =	strace $0x80000047;
	p0 =	sne.s32 s5, $0x0  }
0x9: {  	s6 =	sshrl.u32 s6, $0x7;
	s5 =	simm.s32 $0x1;
	s7 =	simm.s32 @!p0 $0x0  }
0xa: {  	s10 =	smov.u32 s3;
	[sflag:s5] =	ssyncpa.u1 $0x0;
	s6 =	sadd.s32 s7, s6  }
0xb: {  	[sflag:s8] =	ssyncpa.u1 $0x0;
	s8 =	simm.s32 $0x0;
	s7 =	sadd.s32 $0x1, s6  }
.LBB1_9:
0xc: {  	s14 =	sadd.s32 $0x80, s10  }
0xd: {  	p1 =	sgt.s32 s14, $0x7FF  }
0xe: {  	s14 =	smov.u32 @p1 s3;
	p1 =	sne.s32 s11, s7  }
.Ltmp1:
0xf: {  	p0 =	slt.u32 s11, $0x2;
	(pc) =	sbr.rel @!p1 .LBB1_10-.Ltmp1, $4  }
0x10: {  	s13 =	simm.s32 @!p0 $0x2  }
0x11: {  	s15 =	sadd.s32 $0x1, s11;
	_ =	swait.ge @!p0 [sflag:s13], $0x4000  }
0x12: {  	s12 =	smov.u32 s10;
	s9 =	sadd.s32 $0x4000, s9;
	[sflag:s13] =	ssyncset.done @!p0 $0x0  }
0x13: {  	s11 =	smov.u32 s15;
	s10 =	smov.u32 s14;
	[sflag:s13] =	ssyncadd.s32 @!p0 $0xFFFFC000  }
.LBB1_1:
0x14: {  	p0 =	sge.u32 s11, s6  }
0x15: {  	s13 =	sxor.u32 @!p0 $0xFFFFFFFF, s11  }
0x16: {  	s31 =	sadd.s32 $0xFFFFFFFF, s11;
	s14 =	sshll.u32 @!p0 s10, $0x9;
	s13 =	sshll.u32 @!p0 s13, $0xE  }
0x17: {  	s15 =	simm.s32 @!p0 $0x0;
	s14 =	sadd.s32 @!p0 s2, s14;
	s13 =	sand.u32 @!p0 $0x4000, s13  }
0x18: {  	[tilespmem:s13], [sflag:$0x1] =	stream.linear.gather @!p0 [hbm4b:s14+s15], $0x4000, $0x38;
	[tilespmem:$0x10000] =	vst v63  }
0x19: {  	p0 =	sge.u32 s31, s6  }
.Ltmp2:
0x1a: {  	_ = 	snop;
	(pc) =	sbr.rel @p0 .LBB1_9-.Ltmp2, $1  }
0x1b: {  	_ =	sdelay $0x3  }
0x1c: {  	s14 =	sand.u32 $0x4000, s9  }
0x1d: {  	_ =	swait.ge [sflag:s5], $0x4000;
	s15 =	sshll.u32 s11, $0xE;
	s16 =	simm.s32 $0x0  }
0x1e: {  	s13 =	sor.u32 $0x40, s14;
	[sflag:s5] =	ssyncset.done $0x0;
	s15 =	sand.u32 $0x4000, s15  }
0x1f: {  	s14 =	sor.u32 $0x8040, s14;
	[sflag:s5] =	ssyncadd.s32 $0xFFFFC000;
	s15 =	sor.u32 $0x8000, s15  }
.LBB1_3:
0x20: {  	s17 =	smov.u32 s14;
	s18 =	smov.u32 s13;
	s19 =	simm.s32 $0x0  }
.LBB1_4:
0x21: {  	v0 =	vmov s17;
	v2 =	vld [tilespmem:s18+$0x30]  }
0x22: {  	v4 =	vld [tilespmem:s18+$0xFFFFFFD0]  }
0x23: {  	v6 =	vld [tilespmem:s18+$0xFFFFFFE0]  }
0x24: {  	v7 =	vld [tilespmem:s18+$0xFFFFFFF0]  }
0x25: {  	s20 =	simm.s32 $0x0;
	v1 =	vld [tilespmem:s18+$0x0]  }
0x26: {  	v3 =	vld [tilespmem:s18+$0x10];
	[tilespmem:v0+s20+$0x30 ss:$0x1] =	vst.idx.msk $0xffff, v2  }
0x27: {  	v5 =	vld [tilespmem:s18+$0x20];
	[tilespmem:v0+s20+$0xFFFFFFD0 ss:$0x1] =	vst.idx.msk $0xffff, v4  }
0x28: {  	s21 =	sadd.s32 $0x80, s18;
	v2 =	vld [tilespmem:s18+$0xFFFFFFC0];
	[tilespmem:v0+s20+$0xFFFFFFE0 ss:$0x1] =	vst.idx.msk $0xffff, v6  }
0x29: {  	s22 =	simm.s32 $0x800;
	s23 =	simm.s32 $0x1000;
	v4 =	vld [tilespmem:s21+$0x30];
	[tilespmem:v0+s20+$0xFFFFFFF0 ss:$0x1] =	vst.idx.msk $0xffff, v7  }
.LBB1_5:
0x2a: {  	p0 =	sne.s32 s23, $0x3800;
	v6 =	vld [tilespmem:s21+$0xFFFFFFD0];
	[tilespmem:v0+s20+$0x0 ss:$0x1] =	vst.idx.msk $0xffff, v1  }
0x2b: {  	v7 =	vld [tilespmem:s21+$0xFFFFFFE0];
	[tilespmem:v0+s20+$0x10 ss:$0x1] =	vst.idx.msk $0xffff, v3  }
0x2c: {  	v8 =	vld [tilespmem:s21+$0xFFFFFFF0];
	[tilespmem:v0+s20+$0x20 ss:$0x1] =	vst.idx.msk $0xffff, v5  }
.Ltmp3:
0x2d: {  	v1 =	vld [tilespmem:s21+$0x0];
	[tilespmem:v0+s20+$0xFFFFFFC0 ss:$0x1] =	vst.idx.msk $0xffff, v2;
	s20 =	sshra.s32 s22, $0x2;
	s22 =	smov.u32 s23;
	(pc) =	sbr.rel @p0 .LBB1_5-.Ltmp3, $4  }
0x2e: {  	v3 =	vld [tilespmem:s21+$0x10];
	[tilespmem:v0+s20+$0x30 ss:$0x1] =	vst.idx.msk $0xffff, v4  }
0x2f: {  	[tilespmem:v0+s20+$0xFFFFFFD0 ss:$0x1] =	vst.idx.msk $0xffff, v6;
	v5 =	vld [tilespmem:s21+$0x20]  }
0x30: {  	v2 =	vld [tilespmem:s21+$0xFFFFFFC0];
	[tilespmem:v0+s20+$0xFFFFFFE0 ss:$0x1] =	vst.idx.msk $0xffff, v7;
	s21 =	sadd.s32 $0x80, s21  }
0x31: {  	s23 =	sadd.s32 $0x800, s23;
	v4 =	vld [tilespmem:s21+$0x30];
	[tilespmem:v0+s20+$0xFFFFFFF0 ss:$0x1] =	vst.idx.msk $0xffff, v8  }
0x32: {  	_ =	sdelay $0x3  }
0x33: {  	v6 =	vld [tilespmem:s21+$0xFFFFFFD0];
	[tilespmem:v0+s20+$0x0 ss:$0x1] =	vst.idx.msk $0xffff, v1  }
0x34: {  	v58 =	vld [tilespmem:s21+$0xFFFFFFE0];
	[tilespmem:v0+s20+$0x10 ss:$0x1] =	vst.idx.msk $0xffff, v3  }
0x35: {  	v59 =	vld [tilespmem:s21+$0xFFFFFFF0];
	[tilespmem:v0+s20+$0x20 ss:$0x1] =	vst.idx.msk $0xffff, v5  }
0x36: {  	s22 =	sshra.s32 s22, $0x2;
	v60 =	vld [tilespmem:s21+$0x0];
	[tilespmem:v0+s20+$0xFFFFFFC0 ss:$0x1] =	vst.idx.msk $0xffff, v2  }
0x37: {  	v61 =	vld [tilespmem:s21+$0x10];
	[tilespmem:v0+s22+$0x30 ss:$0x1] =	vst.idx.msk $0xffff, v4  }
0x38: {  	v62 =	vld [tilespmem:s21+$0x20];
	s19 =	sadd.s32 $0x1, s19;
	[tilespmem:v0+s22+$0xFFFFFFD0 ss:$0x1] =	vst.idx.msk $0xffff, v6  }
0x39: {  	v63 =	vld [tilespmem:s21+$0xFFFFFFC0];
	p0 =	sne.s32 s19, $0x4;
	[tilespmem:v0+s22+$0xFFFFFFE0 ss:$0x1] =	vst.idx.msk $0xffff, v58  }
.Ltmp4:
0x3a: {  	[tilespmem:v0+s22+$0xFFFFFFF0 ss:$0x1] =	vst.idx.msk $0xffff, v59;
	(pc) =	sbr.rel @p0 .LBB1_4-.Ltmp4, $4  }
0x3b: {  	[tilespmem:v0+s22+$0x0 ss:$0x1] =	vst.idx.msk $0xffff, v60  }
0x3c: {  	[tilespmem:v0+s22+$0x10 ss:$0x1] =	vst.idx.msk $0xffff, v61  }
0x3d: {  	[tilespmem:v0+s22+$0x20 ss:$0x1] =	vst.idx.msk $0xffff, v62  }
0x3e: {  	s18 =	sadd.s32 $0x400, s18;
	s17 =	sadd.s32 $0x80, s17;
	[tilespmem:v0+s22+$0xFFFFFFC0 ss:$0x1] =	vst.idx.msk $0xffff, v63  }
0x3f: {  	s16 =	sadd.s32 $0x1, s16  }
0x40: {  	p0 =	sne.s32 s16, $0x4  }
.Ltmp5:
0x41: {  	_ = 	snop;
	(pc) =	sbr.rel @p0 .LBB1_3-.Ltmp5, $2  }
0x42: {  	_ =	sdelay $0x2  }
0x43: {  	s13 =	sadd.s32 $0x1000, s13;
	s14 =	sadd.s32 $0x1000, s14  }
.Ltmp6:
0x44: {  	(pc) =	sbr.rel .LBB1_9-.Ltmp6, $4  }
0x45: {  	_ = 	snop  }
0x46: {  	s12 =	sshll.u32 s12, $0x9  }
0x47: {  	s12 =	sadd.s32 s4, s12  }
0x48: {  	[hbm4b:s12+s8] =	stream.linear.scatter [tilespmem:s15], [sflag:$0x2], $0x4000, $0x38;
	[tilespmem:$0x10000] =	vst v63  }
.LBB1_10:
0x49: {  	_ =	sfence.sel $0x180000  }
0x4a: {  	s2 =	simm.s32 $0x1;
	[bflag:$0x0] =	sbarrier.arrive $0xFFFF  }
0x4b: {  	s31 =	simm.s32 $0x2;
	[sflag:s2] =	ssyncpa.u1 $0x1  }
0x4c: {  	[sflag:s31] =	ssyncpa.u1 $0x1  }
0x4d: {  	p0 =	sne.s32 s0, $0x0;
	_ =	strace $0x90000047  }
0x4e: {  	s0 =	sadd.s32 @!p0 $0x100000, s1;
	[bflag:$0x2] =	sbarrier.arrive $0xFFFF  }
0x4f: {  	[sflag:s0] =	ssyncadd.tile.s32 @!p0 $0x1;
	_ =	shalt  }
.Lfunc_end1:
_tile_overlayer_lowered:
.L_overlay_start_2:
0x50: {  	(tag) =	ssettag $0x2  }
0x51: {  	s0 =	rddreg [dreg:$0x0];
	s2 =	stileid.u32  }
0x52: {  	s1 =	rddreg [dreg:$0x1];
	p0 =	sne.s32 s2, $0x0  }
0x53: {  	s3 =	rddreg [dreg:$0x2];
	[bflag:$0x3] =	sbarrier.arrive $0xFFFF;
	s2 =	simm.s32 @!p0 $0x1C01  }
0x54: {  	[timem:s3], [sflag:s2] =	dma.local @!p0 [hbm:s0], s1  }
0x55: {  	s0 =	simm.s32 @!p0 $0x1  }
0x56: {  	_ =	swait.ge @!p0 [sflag:s0], s1  }
0x57: {  	s1 =	ssub.s32 @!p0 $0x0, s1;
	[sflag:s0] =	ssyncset.done @!p0 $0x0  }
0x58: {  	[sflag:s0] =	ssyncadd.s32 @!p0 s1  }
0x59: {  	[bflag:$0x3] =	sbarrier.arrive $0xFFFF  }
0x5a: {  	_ =	shalt  }

// kernel: sparse-core-data-format-call.cloned.1.call-start
scs
called_computation_lowered:
.L_overlay_start_0:
0x0: {  	s2 =	sld [smem:$0x3FD9]  }
0x1: {  	s3 =	sld [smem:$0x3FFE];
	_ =	sdelay $0x1  }
0x2: {  	s1 =	srdreg.scid  }
0x3: {  	s0 =	sand.u32 $0x1, s1  }
0x4: {  	s19 =	sshll.u32 s0, $0xA;
	s2 =	sadd.s32 s3, s2  }
0x5: {  	s2 =	sadd.s32 s2, s19  }
0x6: {  	[smem:$0x3FC6] =	sst s2  }
0x7: {  	_ = 	snop  }
0x8: {  	s20 =	sld [smem:$0x3FC8]  }
0x9: {  	s4 =	sld [smem:$0x3FD0];
	(tm) =	ssettm $0x1  }
0xa: {  	s21 =	sld [smem:$0x3FFB];
	_ =	sdelay $0x3  }
0xb: {  	_ =	strace s21  }
0xc: {  	s2 =	sld [smem:$0x3FFC];
	_ =	sdelay $0x3  }
0xd: {  	_ =	strace s2  }
0xe: {  	s2 =	sld [smem:$0x3FFD];
	_ =	sdelay $0x3  }
0xf: {  	_ =	strace s2  }
0x10: {  	_ =	strace $0x8FFFFFFF  }
0x11: {  	s22 =	sld [smem:$0x3FDB];
	_ =	sdelay $0x1  }
0x12: {  	s5 =	simm.s32 $_scs_section_size  }
0x13: {  	s6 =	simm.s32 $_size__tile_overlayer_lowered;
	s7 =	simm.s32 $_tile_overlayer_lowered  }
0x14: {  	s8 =	simm.s32 $0x1BFF;
	s23 =	sshll.u32 s7, $0x1;
	s5 =	sadd.s32 s5, s22  }
0x15: {  	s24 =	simm.s32 $0x0;
	s6 =	sshll.u32 s6, $0x1;
	s7 =	sadd.s32 s23, s5  }
0x16: {  	[timem:s24], [sflag:s8] =	dma.local [hbm:s7], s6  }
0x17: {  	_ =	swait.ge [sflag:s8], s6  }
0x18: {  	s6 =	ssub.s32 $0x0, s6;
	[sflag:s8] =	ssyncset.done $0x0  }
0x19: {  	[sflag:s8] =	ssyncadd.s32 s6;
	_ =	sdelay $0x1  }
0x1a: {  	s25 =	simm.s32 $0x1B8B  }
0x1b: {  	_ =	swait.ge [sflag:s25], $0x1  }
0x1c: {  	[sflag:s25] =	ssyncset.done $0x0  }
0x1d: {  	[sflag:s25] =	ssyncadd.s32 $0xFFFFFFFF  }
0x1e: {  	s6 =	sld [smem:$0x0]  }
0x1f: {  	s7 =	sand.u32 $0xFFFFFFFE, s1  }
0x20: {  	p0 =	sne.s32 s1, s7  }
0x21: {  	s7 =	sshll.u32 @p0 s7, $0xE  }
0x22: {  	s7 =	sadd.s32 @p0 $0x11B8D, s7;
	s8 =	sshll.u32 @p0 s6, $0x11  }
0x23: {  	s7 =	sor.u32 @p0 s8, s7  }
0x24: {  	[sflag:s7] =	ssyncadd.remote.s32 @p0 $0x1;
	_ =	sdelay $0x1  }
0x25: {  	s7 =	simm.s32 @p0 $0x1B8D  }
0x26: {  	_ =	swait.eq @p0 [sflag:s7], $0x1  }
0x27: {  	[sflag:s7] =	ssyncadd.s32 @p0 $0xFFFFFFFF  }
0x28: {  	s8 =	sshll.u32 @!p0 s1, $0xE  }
0x29: {  	s8 =	sor.u32 @!p0 $0x4000, s8;
	s7 =	simm.s32 @!p0 $0x1B8D  }
0x2a: {  	s6 =	sshll.u32 @!p0 s6, $0x11;
	s8 =	sadd.s32 @!p0 $0x11B8D, s8;
	_ =	swait.eq @!p0 [sflag:s7], $0x1  }
0x2b: {  	s6 =	sor.u32 @!p0 s6, s8;
	[sflag:s7] =	ssyncadd.s32 @!p0 $0xFFFFFFFF  }
0x2c: {  	s26 =	simm.s32 $0x1B8E;
	[sflag:s6] =	ssyncadd.remote.s32 @!p0 $0x1  }
0x2d: {  	s27 =	simm.s32 $execute0_lowered;
	[smem:$0x3FD2] =	sst s26  }
0x2e: {  	s6 =	sshll.u32 s27, $0x1;
	_ =	strace $0x80000049;
	[dreg:$0x1] =	wrdreg $0xFFFFFFFF  }
0x2f: {  	s28 =	simm.s32 $_size_execute0_lowered;
	s5 =	sadd.s32 s5, s6;
	[dreg:$0x0] =	wrdreg $0x0  }
0x30: {  	s6 =	sshll.u32 s28, $0x1;
	[dreg:$0x2] =	wrdreg s5  }
0x31: {  	[dreg:$0x3] =	wrdreg s6  }
0x32: {  	[dreg:$0x4] =	wrdreg $0xC0  }
0x33: {  	_ =	task [dreg:s24], $0x5FFFF  }
0x34: {  	[dreg:$0x1] =	wrdreg $0xFFFFFFFF  }
0x35: {  	[dreg:$0x0] =	wrdreg $0x60  }
0x36: {  	[dreg:$0x2] =	wrdreg s20  }
0x37: {  	[dreg:$0x3] =	wrdreg s4  }
0x38: {  	[dreg:$0x4] =	wrdreg $0x9  }
0x39: {  	_ =	task.clear_ibuf [dreg:s24], $0x5FFFF;
	_ =	strace $0x90000049  }
0x3a: {  	s29 =	simm.s32 $0x9;
	_ =	strace $0x8000004B  }
0x3b: {  	_ =	swait.ge [sflag:s29], $0x1  }
0x3c: {  	[sflag:s29] =	ssyncadd.s32 $0xFFFFFFFF  }
0x3d: {  	_ =	strace $0x9000004B  }
0x3e: {  	_ =	sfence  }
0x3f: {  	s30 =	sld [smem:$0x0];
	_ =	sdelay $0x2  }
0x40: {  	s31 =	sshll.u32 s1, $0xD;
	s1 =	sshrl.u32 s1, $0x2  }
0x41: {  	s4 =	sand.u32 $0x4000, s31;
	s1 =	sadd.s32 s1, s30  }
0x42: {  	s0 =	sor.u32 s4, s0;
	s1 =	sshll.u32 s1, $0x11  }
0x43: {  	s0 =	sor.u32 s1, s0  }
0x44: {  	s0 =	sadd.s32 $0x8F2B, s0  }
0x45: {  	[sflag:s0] =	ssyncadd.remote.s32 $0x1  }
0x46: {  	_ =	sfence.sel $0xFFFF  }
0x47: {  	[dreg:$0x0] =	wrdreg $0xFFFFFFFF;
	(pc) =	sbr.abs _section_cstart, $3  }
0x48: {  	[dreg:$0x1] =	wrdreg $0xFFFFFFFF  }
0x49: {  	_ =	task.clear_ibuf [dreg:s24], $0x2FFFF;
	_ =	strace $0x9FFFFFFF  }
0x4a: {  	(tm) =	ssettm $0x7FFFFFFF  }
0x4b: {  	_ =	shalt  }
tec
execute0_lowered:
.L_overlay_start_1:
0x0: {  	(tag) =	ssettag $0x1  }
0x1: {  	s0 =	srdreg.scid  }
0x2: {  	s1 =	sshll.u32 s0, $0x4  }
0x3: {  	s2 =	rddreg [dreg:$0x0];
	s0 =	stileid.u32;
	s1 =	sand.u32 $0x10, s1  }
0x4: {  	s4 =	rddreg [dreg:$0x1];
	s1 =	sor.u32 s0, s1  }
0x5: {  	s7 =	simm.s32 $0x1;
	s8 =	simm.s32 $0x2;
	s3 =	sshll.u32 s1, $0x2  }
0x6: {  	s9 =	simm.s32 $0x0;
	s12 =	simm.s32 $0x0;
	s6 =	ssub.s32 $0x800, s3  }
.Ltmp0:
0x7: {  	s11 =	simm.s32 $0x0;
	s5 =	sand.u32 $0x7C, s6;
	(pc) =	sbr.rel .LBB1_1-.Ltmp0, $4  }
0x8: {  	s1 =	rddreg [dreg:$0x2];
	_ =	strace $0x8000004A;
	p0 =	sne.s32 s5, $0x0  }
0x9: {  	s6 =	sshrl.u32 s6, $0x7;
	s5 =	simm.s32 $0x1;
	s7 =	simm.s32 @!p0 $0x0  }
0xa: {  	s10 =	smov.u32 s3;
	[sflag:s5] =	ssyncpa.u1 $0x0;
	s6 =	sadd.s32 s7, s6  }
0xb: {  	[sflag:s8] =	ssyncpa.u1 $0x0;
	s8 =	simm.s32 $0x0;
	s7 =	sadd.s32 $0x1, s6  }
.LBB1_9:
0xc: {  	s14 =	sadd.s32 $0x80, s10  }
0xd: {  	p1 =	sgt.s32 s14, $0x7FF  }
0xe: {  	s14 =	smov.u32 @p1 s3;
	p1 =	sne.s32 s11, s7  }
.Ltmp1:
0xf: {  	p0 =	slt.u32 s11, $0x2;
	(pc) =	sbr.rel @!p1 .LBB1_10-.Ltmp1, $4  }
0x10: {  	s13 =	simm.s32 @!p0 $0x2  }
0x11: {  	s15 =	sadd.s32 $0x1, s11;
	_ =	swait.ge @!p0 [sflag:s13], $0x4000  }
0x12: {  	s12 =	smov.u32 s10;
	s9 =	sadd.s32 $0x4000, s9;
	[sflag:s13] =	ssyncset.done @!p0 $0x0  }
0x13: {  	s11 =	smov.u32 s15;
	s10 =	smov.u32 s14;
	[sflag:s13] =	ssyncadd.s32 @!p0 $0xFFFFC000  }
.LBB1_1:
0x14: {  	p0 =	sge.u32 s11, s6  }
0x15: {  	s13 =	sxor.u32 @!p0 $0xFFFFFFFF, s11  }
0x16: {  	s31 =	sadd.s32 $0xFFFFFFFF, s11;
	s14 =	sshll.u32 @!p0 s10, $0x9;
	s13 =	sshll.u32 @!p0 s13, $0xE  }
0x17: {  	s15 =	simm.s32 @!p0 $0x0;
	s14 =	sadd.s32 @!p0 s2, s14;
	s13 =	sand.u32 @!p0 $0x4000, s13  }
0x18: {  	[tilespmem:s13], [sflag:$0x1] =	stream.linear.gather @!p0 [hbm4b:s14+s15], $0x4000, $0x38;
	[tilespmem:$0x10000] =	vst v63  }
0x19: {  	p0 =	sge.u32 s31, s6  }
.Ltmp2:
0x1a: {  	_ = 	snop;
	(pc) =	sbr.rel @p0 .LBB1_9-.Ltmp2, $1  }
0x1b: {  	_ =	sdelay $0x3  }
0x1c: {  	s14 =	sand.u32 $0x4000, s9  }
0x1d: {  	_ =	swait.ge [sflag:s5], $0x4000;
	s15 =	sshll.u32 s11, $0xE;
	s16 =	simm.s32 $0x0  }
0x1e: {  	s13 =	sor.u32 $0x40, s14;
	[sflag:s5] =	ssyncset.done $0x0;
	s15 =	sand.u32 $0x4000, s15  }
0x1f: {  	s14 =	sor.u32 $0x8040, s14;
	[sflag:s5] =	ssyncadd.s32 $0xFFFFC000;
	s15 =	sor.u32 $0x8000, s15  }
.LBB1_3:
0x20: {  	s17 =	smov.u32 s14;
	s18 =	smov.u32 s13;
	s19 =	simm.s32 $0x0  }
.LBB1_4:
0x21: {  	v0 =	vmov s17;
	v2 =	vld [tilespmem:s18+$0x30]  }
0x22: {  	v4 =	vld [tilespmem:s18+$0xFFFFFFD0]  }
0x23: {  	v6 =	vld [tilespmem:s18+$0xFFFFFFE0]  }
0x24: {  	v7 =	vld [tilespmem:s18+$0xFFFFFFF0]  }
0x25: {  	s20 =	simm.s32 $0x0;
	v1 =	vld [tilespmem:s18+$0x0]  }
0x26: {  	v3 =	vld [tilespmem:s18+$0x10];
	[tilespmem:v0+s20+$0x30 ss:$0x1] =	vst.idx.msk $0xffff, v2  }
0x27: {  	v5 =	vld [tilespmem:s18+$0x20];
	[tilespmem:v0+s20+$0xFFFFFFD0 ss:$0x1] =	vst.idx.msk $0xffff, v4  }
0x28: {  	s21 =	sadd.s32 $0x80, s18;
	v2 =	vld [tilespmem:s18+$0xFFFFFFC0];
	[tilespmem:v0+s20+$0xFFFFFFE0 ss:$0x1] =	vst.idx.msk $0xffff, v6  }
0x29: {  	s22 =	simm.s32 $0x800;
	s23 =	simm.s32 $0x1000;
	v4 =	vld [tilespmem:s21+$0x30];
	[tilespmem:v0+s20+$0xFFFFFFF0 ss:$0x1] =	vst.idx.msk $0xffff, v7  }
.LBB1_5:
0x2a: {  	p0 =	sne.s32 s23, $0x3800;
	v6 =	vld [tilespmem:s21+$0xFFFFFFD0];
	[tilespmem:v0+s20+$0x0 ss:$0x1] =	vst.idx.msk $0xffff, v1  }
0x2b: {  	v7 =	vld [tilespmem:s21+$0xFFFFFFE0];
	[tilespmem:v0+s20+$0x10 ss:$0x1] =	vst.idx.msk $0xffff, v3  }
0x2c: {  	v8 =	vld [tilespmem:s21+$0xFFFFFFF0];
	[tilespmem:v0+s20+$0x20 ss:$0x1] =	vst.idx.msk $0xffff, v5  }
.Ltmp3:
0x2d: {  	v1 =	vld [tilespmem:s21+$0x0];
	[tilespmem:v0+s20+$0xFFFFFFC0 ss:$0x1] =	vst.idx.msk $0xffff, v2;
	s20 =	sshra.s32 s22, $0x2;
	s22 =	smov.u32 s23;
	(pc) =	sbr.rel @p0 .LBB1_5-.Ltmp3, $4  }
0x2e: {  	v3 =	vld [tilespmem:s21+$0x10];
	[tilespmem:v0+s20+$0x30 ss:$0x1] =	vst.idx.msk $0xffff, v4  }
0x2f: {  	[tilespmem:v0+s20+$0xFFFFFFD0 ss:$0x1] =	vst.idx.msk $0xffff, v6;
	v5 =	vld [tilespmem:s21+$0x20]  }
0x30: {  	v2 =	vld [tilespmem:s21+$0xFFFFFFC0];
	[tilespmem:v0+s20+$0xFFFFFFE0 ss:$0x1] =	vst.idx.msk $0xffff, v7;
	s21 =	sadd.s32 $0x80, s21  }
0x31: {  	s23 =	sadd.s32 $0x800, s23;
	v4 =	vld [tilespmem:s21+$0x30];
	[tilespmem:v0+s20+$0xFFFFFFF0 ss:$0x1] =	vst.idx.msk $0xffff, v8  }
0x32: {  	_ =	sdelay $0x3  }
0x33: {  	v6 =	vld [tilespmem:s21+$0xFFFFFFD0];
	[tilespmem:v0+s20+$0x0 ss:$0x1] =	vst.idx.msk $0xffff, v1  }
0x34: {  	v58 =	vld [tilespmem:s21+$0xFFFFFFE0];
	[tilespmem:v0+s20+$0x10 ss:$0x1] =	vst.idx.msk $0xffff, v3  }
0x35: {  	v59 =	vld [tilespmem:s21+$0xFFFFFFF0];
	[tilespmem:v0+s20+$0x20 ss:$0x1] =	vst.idx.msk $0xffff, v5  }
0x36: {  	s22 =	sshra.s32 s22, $0x2;
	v60 =	vld [tilespmem:s21+$0x0];
	[tilespmem:v0+s20+$0xFFFFFFC0 ss:$0x1] =	vst.idx.msk $0xffff, v2  }
0x37: {  	v61 =	vld [tilespmem:s21+$0x10];
	[tilespmem:v0+s22+$0x30 ss:$0x1] =	vst.idx.msk $0xffff, v4  }
0x38: {  	v62 =	vld [tilespmem:s21+$0x20];
	s19 =	sadd.s32 $0x1, s19;
	[tilespmem:v0+s22+$0xFFFFFFD0 ss:$0x1] =	vst.idx.msk $0xffff, v6  }
0x39: {  	v63 =	vld [tilespmem:s21+$0xFFFFFFC0];
	p0 =	sne.s32 s19, $0x4;
	[tilespmem:v0+s22+$0xFFFFFFE0 ss:$0x1] =	vst.idx.msk $0xffff, v58  }
.Ltmp4:
0x3a: {  	[tilespmem:v0+s22+$0xFFFFFFF0 ss:$0x1] =	vst.idx.msk $0xffff, v59;
	(pc) =	sbr.rel @p0 .LBB1_4-.Ltmp4, $4  }
0x3b: {  	[tilespmem:v0+s22+$0x0 ss:$0x1] =	vst.idx.msk $0xffff, v60  }
0x3c: {  	[tilespmem:v0+s22+$0x10 ss:$0x1] =	vst.idx.msk $0xffff, v61  }
0x3d: {  	[tilespmem:v0+s22+$0x20 ss:$0x1] =	vst.idx.msk $0xffff, v62  }
0x3e: {  	s18 =	sadd.s32 $0x400, s18;
	s17 =	sadd.s32 $0x80, s17;
	[tilespmem:v0+s22+$0xFFFFFFC0 ss:$0x1] =	vst.idx.msk $0xffff, v63  }
0x3f: {  	s16 =	sadd.s32 $0x1, s16  }
0x40: {  	p0 =	sne.s32 s16, $0x4  }
.Ltmp5:
0x41: {  	_ = 	snop;
	(pc) =	sbr.rel @p0 .LBB1_3-.Ltmp5, $2  }
0x42: {  	_ =	sdelay $0x2  }
0x43: {  	s13 =	sadd.s32 $0x1000, s13;
	s14 =	sadd.s32 $0x1000, s14  }
.Ltmp6:
0x44: {  	(pc) =	sbr.rel .LBB1_9-.Ltmp6, $4  }
0x45: {  	_ = 	snop  }
0x46: {  	s12 =	sshll.u32 s12, $0x9  }
0x47: {  	s12 =	sadd.s32 s4, s12  }
0x48: {  	[hbm4b:s12+s8] =	stream.linear.scatter [tilespmem:s15], [sflag:$0x2], $0x4000, $0x38;
	[tilespmem:$0x10000] =	vst v63  }
.LBB1_10:
0x49: {  	_ =	sfence.sel $0x180000  }
0x4a: {  	s2 =	simm.s32 $0x1;
	[bflag:$0x0] =	sbarrier.arrive $0xFFFF  }
0x4b: {  	s31 =	simm.s32 $0x2;
	[sflag:s2] =	ssyncpa.u1 $0x1  }
0x4c: {  	[sflag:s31] =	ssyncpa.u1 $0x1  }
0x4d: {  	p0 =	sne.s32 s0, $0x0;
	_ =	strace $0x9000004A  }
0x4e: {  	s0 =	sadd.s32 @!p0 $0x100000, s1;
	[bflag:$0x2] =	sbarrier.arrive $0xFFFF  }
0x4f: {  	[sflag:s0] =	ssyncadd.tile.s32 @!p0 $0x1;
	_ =	shalt  }
.Lfunc_end1:
_tile_overlayer_lowered:
.L_overlay_start_2:
0x50: {  	(tag) =	ssettag $0x2  }
0x51: {  	s0 =	rddreg [dreg:$0x0];
	s2 =	stileid.u32  }
0x52: {  	s1 =	rddreg [dreg:$0x1];
	p0 =	sne.s32 s2, $0x0  }
0x53: {  	s3 =	rddreg [dreg:$0x2];
	[bflag:$0x3] =	sbarrier.arrive $0xFFFF;
	s2 =	simm.s32 @!p0 $0x1C01  }
0x54: {  	[timem:s3], [sflag:s2] =	dma.local @!p0 [hbm:s0], s1  }
0x55: {  	s0 =	simm.s32 @!p0 $0x1  }
0x56: {  	_ =	swait.ge @!p0 [sflag:s0], s1  }
0x57: {  	s1 =	ssub.s32 @!p0 $0x0, s1;
	[sflag:s0] =	ssyncset.done @!p0 $0x0  }
0x58: {  	[sflag:s0] =	ssyncadd.s32 @!p0 s1  }
0x59: {  	[bflag:$0x3] =	sbarrier.arrive $0xFFFF  }
0x5a: {  	_ =	shalt  }

</sc_bundles>
